<compile_context>
chip_gen: v7x
topology: tpu7x:2x2x1
jax: 0.10.2.dev20260603
libtpu: 0.0.44.dev20260713+nightly
codegen_flags: <defaults>
</compile_context>

<pallas_src>
import functools

import jax
import jax.numpy as jnp
from jax import lax
from jax.experimental import pallas as pl
from jax.experimental.pallas import tpu as pltpu
from jax.experimental.pallas import tpu_sc as plsc

_B = 1024
_C = 100000


_RB = 256
_CB = 2048
_NCB = (_C + _CB - 1) // _CB


def _lse_body(x_ref, g_ref, out_ref, m_ref, s_ref):
    r = pl.program_id(0)
    c = pl.program_id(1)
    nr = pl.num_programs(0)
    nc = pl.num_programs(1)

    @pl.when(c == 0)
    def _init():
        m_ref[...] = jnp.full_like(m_ref, -jnp.inf)
        s_ref[...] = jnp.zeros_like(s_ref)

    xb = x_ref[...]

    def update(xm):
        bm = jnp.max(xm, axis=1, keepdims=True)
        m_old = m_ref[...]
        m_new = jnp.maximum(m_old, bm)
        p = jnp.exp(xm - m_new)
        bs = jnp.sum(p, axis=1, keepdims=True)
        s_new = s_ref[...] * jnp.exp(m_old - m_new) + bs
        m_ref[...] = m_new
        s_ref[...] = s_new
        return m_new, s_new

    @pl.when(c < nc - 1)
    def _main():
        update(xb)

    @pl.when(c == nc - 1)
    def _fin():
        col = c * _CB + lax.broadcasted_iota(jnp.int32, (_RB, _CB), 1)
        m_new, s_new = update(jnp.where(col < _C, xb, -jnp.inf))
        lse = m_new + jnp.log(s_new)
        part = jnp.sum(lse)
        prev = jnp.where(r == 0, 0.0, out_ref[0, 0])
        acc = prev + part
        gsum = jnp.sum(g_ref[...])
        out_ref[0, 0] = jnp.where(r == nr - 1,
                                  (acc - gsum) * (1.0 / _B), acc)


@jax.jit
def _lse_sum(x, g_parts):
    return pl.pallas_call(
        _lse_body,
        grid=(_B // _RB, _NCB),
        in_specs=[
            pl.BlockSpec((_RB, _CB), lambda r, c: (r, c)),
            pl.BlockSpec((_NW, _L), lambda r, c: (0, 0)),
        ],
        out_specs=pl.BlockSpec(memory_space=pltpu.SMEM),
        out_shape=jax.ShapeDtypeStruct((1, 1), jnp.float32),
        scratch_shapes=[
            pltpu.VMEM((_RB, 1), jnp.float32),
            pltpu.VMEM((_RB, 1), jnp.float32),
        ],
        compiler_params=pltpu.CompilerParams(
            dimension_semantics=("arbitrary", "arbitrary"),
        ),
    )(x, g_parts)



_NC, _NS, _L = 2, 16, 16
_NW = _NC * _NS
_BPW = _B // _NW


def _sc_body(x_hbm, lab_hbm, perm_hbm, coef_hbm, out_hbm,
             lab_v, perm_v, coef_v, fl_v, fp_v, xl_v, xp_v, ps_v, sem):
    cid = lax.axis_index("c")
    sid = lax.axis_index("s")
    wid = sid * _NC + cid
    base = wid * _BPW

    pltpu.sync_copy(lab_hbm.at[pl.ds(base, _BPW)], lab_v)
    pltpu.sync_copy(perm_hbm.at[pl.ds(base, _BPW)], perm_v)
    pltpu.sync_copy(coef_hbm.at[pl.ds(base, _BPW)], coef_v)

    for ch in range(_BPW // _L):
        rows = base + ch * _L + lax.iota(jnp.int32, _L)
        fl_v[pl.ds(ch * _L, _L)] = rows * _C + lab_v[pl.ds(ch * _L, _L)]
        fp_v[pl.ds(ch * _L, _L)] = rows * _C + perm_v[pl.ds(ch * _L, _L)]

    pltpu.async_copy(x_hbm.at[fl_v], xl_v, sem).wait()
    pltpu.async_copy(x_hbm.at[fp_v], xp_v, sem).wait()

    acc = jnp.zeros((_L,), jnp.float32)
    for ch in range(_BPW // _L):
        co = coef_v[pl.ds(ch * _L, _L)]
        acc = acc + co * xl_v[pl.ds(ch * _L, _L)] \
            + (1.0 - co) * xp_v[pl.ds(ch * _L, _L)]
    ps_v[...] = acc
    pltpu.sync_copy(ps_v, out_hbm.at[wid])


@jax.jit
def _sc_gather_dot(x_flat, labels, perm_labels, coeffs):
    mesh = plsc.VectorSubcoreMesh(core_axis_name="c", subcore_axis_name="s")
    k = functools.partial(
        pl.kernel,
        out_type=jax.ShapeDtypeStruct((_NW, _L), jnp.float32),
        mesh=mesh,
        scratch_types=[
            pltpu.VMEM((_BPW,), jnp.int32),
            pltpu.VMEM((_BPW,), jnp.int32),
            pltpu.VMEM((_BPW,), jnp.float32),
            pltpu.VMEM((_BPW,), jnp.int32),
            pltpu.VMEM((_BPW,), jnp.int32),
            pltpu.VMEM((_BPW,), jnp.float32),
            pltpu.VMEM((_BPW,), jnp.float32),
            pltpu.VMEM((_L,), jnp.float32),
            pltpu.SemaphoreType.DMA,
        ],
    )(_sc_body)
    return k(x_flat, labels, perm_labels, coeffs)


def kernel(x, labels, perm_labels, label_coeffs):
    labels = labels.astype(jnp.int32)
    perm_labels = perm_labels.astype(jnp.int32)
    coeffs = label_coeffs.astype(jnp.float32)
    g_parts = _sc_gather_dot(x.reshape(-1), labels, perm_labels, coeffs)
    loss = _lse_sum(x, g_parts)
    return loss[0, 0]

# --- scband reference (transcript-rebuilt; emitter-appended) ---
"""Pipeline reference for scband-cross-entropy-loss-with-softlabel-72060961292503 (READ-ONLY COPY).

The authoritative reference and input builder live on the scoring server;
editing this copy changes nothing except your own understanding.
"""

import jax, jax.numpy as jnp
import numpy as np

B = 1024
C = 100000

def setup_inputs(seed: int = 0) -> dict:
    key = jax.random.key(seed)
    k1, k2, k3, k4 = jax.random.split(key, 4)
    x = jax.random.normal(k1, (B, C), dtype=jnp.float32)
    labels = jax.random.randint(k2, (B,), 0, C, dtype=jnp.int64) if jax.config.jax_enable_x64 else jax.random.randint(k2, (B,), 0, C).astype(jnp.int32)
    perm_labels = jax.random.randint(k3, (B,), 0, C).astype(labels.dtype)
    label_coeffs = jax.random.uniform(k4, (B,), dtype=jnp.float32)
    return {"x": x, "labels": labels, "perm_labels": perm_labels, "label_coeffs": label_coeffs}

def reference(x, labels, perm_labels, label_coeffs):
    n = x.shape[0]
    rows = jnp.arange(n)
    coeffs = label_coeffs.astype(x.dtype)
    # torch scatter_(dim=1, index=labels.view(-1,1), src=coeffs.view(-1,1)) -> overwrite semantics
    soft_labels = jnp.zeros_like(x).at[rows, labels].set(coeffs)
    soft_labels2 = jnp.zeros_like(x).at[rows, perm_labels].set(1.0 - coeffs)
    soft_labels = soft_labels + soft_labels2
    logprobs = jax.nn.log_softmax(x.astype(jnp.float32), axis=-1)
    loss = -logprobs * soft_labels
    loss = loss.sum(-1)
    return loss.mean()

if __name__ == "__main__":
    import jax
    _d = setup_inputs()
    print(jax.jit(kernel)(*tuple(_d.values())))

</pallas_src>

<mosaic_0001>
#map = affine_map<(d0, d1) -> (0)>
#map1 = affine_map<(d0, d1) -> (0, 0)>
module attributes {stable_mosaic.version = 14 : i64} {
  func.func @_sc_body(%arg0: i32, %arg1: i32, %arg2: memref<102400000xf32, #tpu.memory_space<hbm>>, %arg3: memref<1024xi32, #tpu.memory_space<hbm>>, %arg4: memref<1024xi32, #tpu.memory_space<hbm>>, %arg5: memref<1024xf32, #tpu.memory_space<hbm>>, %arg6: memref<32x16xf32, #tpu.memory_space<hbm>>, %arg7: memref<32xi32, #tpu.memory_space<vmem>>, %arg8: memref<32xi32, #tpu.memory_space<vmem>>, %arg9: memref<32xf32, #tpu.memory_space<vmem>>, %arg10: memref<32xi32, #tpu.memory_space<vmem>>, %arg11: memref<32xi32, #tpu.memory_space<vmem>>, %arg12: memref<32xf32, #tpu.memory_space<vmem>>, %arg13: memref<32xf32, #tpu.memory_space<vmem>>, %arg14: memref<16xf32, #tpu.memory_space<vmem>>, %arg15: memref<!tpu.dma_semaphore, #tpu.memory_space<semaphore_mem>>) attributes {dimension_semantics = [#tpu.dimension_semantics<core_parallel>, #tpu.dimension_semantics<subcore_parallel>], iteration_bounds = array<i64: 2, 16>, scalar_prefetch = 0 : i64, scratch_operands = 9 : i64, tpu.core_type = #tpu.core_type<sc_vector_subcore>, window_params = [{transform_indices = #map}, {transform_indices = #map}, {transform_indices = #map}, {transform_indices = #map}, {transform_indices = #map1}]} {
    %mul3A = arith.constant 2 : i32
    %mul3A_0 = arith.muli %arg1, %mul3A : i32
    %add3A = arith.addi %mul3A_0, %arg0 : i32
    %mul3A_1 = arith.constant 32 : i32
    %mul3A_2 = arith.muli %add3A, %mul3A_1 : i32
    "tpu.region"() ({
      %run_scoped3A = tpu.sem_alloc : memref<!tpu.dma_semaphore, #tpu.memory_space<semaphore_mem>>
      %dma_start3A_96 = tpu.memref_slice %arg3[%mul3A_2] : memref<1024xi32, #tpu.memory_space<hbm>> -> memref<32xi32, #tpu.memory_space<hbm>>
      %dma_start3A_97 = tpu.memref_slice %arg3[%mul3A_2] : memref<1024xi32, #tpu.memory_space<hbm>> -> memref<32xi32, #tpu.memory_space<hbm>>
      tpu.enqueue_dma source(%dma_start3A_97 : memref<32xi32, #tpu.memory_space<hbm>>) target(%arg7 : memref<32xi32, #tpu.memory_space<vmem>>) target_semaphore(%run_scoped3A : memref<!tpu.dma_semaphore, #tpu.memory_space<semaphore_mem>>)
      %dma_wait3A_98 = tpu.memref_slice %arg3[%mul3A_2] : memref<1024xi32, #tpu.memory_space<hbm>> -> memref<32xi32, #tpu.memory_space<hbm>>
      %dma_wait3A_99 = tpu.memref_slice %arg3[%mul3A_2] : memref<1024xi32, #tpu.memory_space<hbm>> -> memref<32xi32, #tpu.memory_space<hbm>>
      tpu.wait_dma2 semaphore(%run_scoped3A : memref<!tpu.dma_semaphore, #tpu.memory_space<semaphore_mem>>) src(%dma_wait3A_99 : memref<32xi32, #tpu.memory_space<hbm>>) dst(%arg7 : memref<32xi32, #tpu.memory_space<vmem>>)
      tpu.yield
    }) : () -> ()
    "tpu.region"() ({
      %run_scoped3A = tpu.sem_alloc : memref<!tpu.dma_semaphore, #tpu.memory_space<semaphore_mem>>
      %dma_start3A_96 = tpu.memref_slice %arg4[%mul3A_2] : memref<1024xi32, #tpu.memory_space<hbm>> -> memref<32xi32, #tpu.memory_space<hbm>>
      %dma_start3A_97 = tpu.memref_slice %arg4[%mul3A_2] : memref<1024xi32, #tpu.memory_space<hbm>> -> memref<32xi32, #tpu.memory_space<hbm>>
      tpu.enqueue_dma source(%dma_start3A_97 : memref<32xi32, #tpu.memory_space<hbm>>) target(%arg8 : memref<32xi32, #tpu.memory_space<vmem>>) target_semaphore(%run_scoped3A : memref<!tpu.dma_semaphore, #tpu.memory_space<semaphore_mem>>)
      %dma_wait3A_98 = tpu.memref_slice %arg4[%mul3A_2] : memref<1024xi32, #tpu.memory_space<hbm>> -> memref<32xi32, #tpu.memory_space<hbm>>
      %dma_wait3A_99 = tpu.memref_slice %arg4[%mul3A_2] : memref<1024xi32, #tpu.memory_space<hbm>> -> memref<32xi32, #tpu.memory_space<hbm>>
      tpu.wait_dma2 semaphore(%run_scoped3A : memref<!tpu.dma_semaphore, #tpu.memory_space<semaphore_mem>>) src(%dma_wait3A_99 : memref<32xi32, #tpu.memory_space<hbm>>) dst(%arg8 : memref<32xi32, #tpu.memory_space<vmem>>)
      tpu.yield
    }) : () -> ()
    "tpu.region"() ({
      %run_scoped3A = tpu.sem_alloc : memref<!tpu.dma_semaphore, #tpu.memory_space<semaphore_mem>>
      %dma_start3A_96 = tpu.memref_slice %arg5[%mul3A_2] : memref<1024xf32, #tpu.memory_space<hbm>> -> memref<32xf32, #tpu.memory_space<hbm>>
      %dma_start3A_97 = tpu.memref_slice %arg5[%mul3A_2] : memref<1024xf32, #tpu.memory_space<hbm>> -> memref<32xf32, #tpu.memory_space<hbm>>
      tpu.enqueue_dma source(%dma_start3A_97 : memref<32xf32, #tpu.memory_space<hbm>>) target(%arg9 : memref<32xf32, #tpu.memory_space<vmem>>) target_semaphore(%run_scoped3A : memref<!tpu.dma_semaphore, #tpu.memory_space<semaphore_mem>>)
      %dma_wait3A_98 = tpu.memref_slice %arg5[%mul3A_2] : memref<1024xf32, #tpu.memory_space<hbm>> -> memref<32xf32, #tpu.memory_space<hbm>>
      %dma_wait3A_99 = tpu.memref_slice %arg5[%mul3A_2] : memref<1024xf32, #tpu.memory_space<hbm>> -> memref<32xf32, #tpu.memory_space<hbm>>
      tpu.wait_dma2 semaphore(%run_scoped3A : memref<!tpu.dma_semaphore, #tpu.memory_space<semaphore_mem>>) src(%dma_wait3A_99 : memref<32xf32, #tpu.memory_space<hbm>>) dst(%arg9 : memref<32xf32, #tpu.memory_space<vmem>>)
      tpu.yield
    }) : () -> ()
    %add3A_3 = arith.constant 0 : i32
    %add3A_4 = arith.addi %mul3A_2, %add3A_3 : i32
    %iota3A = tpu.iota {dimensions = array<i32: 0>} : vector<16xi32>
    %add3A_5 = vector.broadcast %add3A_4 : i32 to vector<16xi32>
    %add3A_6 = arith.addi %add3A_5, %iota3A : vector<16xi32>
    %mul3A_7 = arith.constant 100000 : i32
    %mul3A_8 = vector.broadcast %mul3A_7 : i32 to vector<16xi32>
    %mul3A_9 = arith.muli %add3A_6, %mul3A_8 : vector<16xi32>
    %get3A = arith.constant 0 : index
    %get3A_10 = tpu.vector_load %arg7[%get3A] {strides = array<i32>} : memref<32xi32, #tpu.memory_space<vmem>>, vector<16xi32>,
    %get3A_11 = vector.shape_cast %get3A_10 : vector<16xi32> to vector<16xi32>
    %add3A_12 = arith.addi %mul3A_9, %get3A_11 : vector<16xi32>
    %swap3A = arith.constant 0 : index
    %swap3A_13 = tpu.vector_load %arg10[%swap3A] {strides = array<i32>} : memref<32xi32, #tpu.memory_space<vmem>>, vector<16xi32>,
    %swap3A_14 = vector.shape_cast %swap3A_13 : vector<16xi32> to vector<16xi32>
    %swap3A_15 = vector.shape_cast %add3A_12 : vector<16xi32> to vector<16xi32>
    tpu.vector_store %arg10[%swap3A], %swap3A_15 {strides = array<i32>} : memref<32xi32, #tpu.memory_space<vmem>>, vector<16xi32>,
    %mul3A_16 = arith.constant 100000 : i32
    %mul3A_17 = vector.broadcast %mul3A_16 : i32 to vector<16xi32>
    %mul3A_18 = arith.muli %add3A_6, %mul3A_17 : vector<16xi32>
    %get3A_19 = arith.constant 0 : index
    %get3A_20 = tpu.vector_load %arg8[%get3A_19] {strides = array<i32>} : memref<32xi32, #tpu.memory_space<vmem>>, vector<16xi32>,
    %get3A_21 = vector.shape_cast %get3A_20 : vector<16xi32> to vector<16xi32>
    %add3A_22 = arith.addi %mul3A_18, %get3A_21 : vector<16xi32>
    %swap3A_23 = arith.constant 0 : index
    %swap3A_24 = tpu.vector_load %arg11[%swap3A_23] {strides = array<i32>} : memref<32xi32, #tpu.memory_space<vmem>>, vector<16xi32>,
    %swap3A_25 = vector.shape_cast %swap3A_24 : vector<16xi32> to vector<16xi32>
    %swap3A_26 = vector.shape_cast %add3A_22 : vector<16xi32> to vector<16xi32>
    tpu.vector_store %arg11[%swap3A_23], %swap3A_26 {strides = array<i32>} : memref<32xi32, #tpu.memory_space<vmem>>, vector<16xi32>,
    %add3A_27 = arith.constant 16 : i32
    %add3A_28 = arith.addi %mul3A_2, %add3A_27 : i32
    %iota3A_29 = tpu.iota {dimensions = array<i32: 0>} : vector<16xi32>
    %add3A_30 = vector.broadcast %add3A_28 : i32 to vector<16xi32>
    %add3A_31 = arith.addi %add3A_30, %iota3A_29 : vector<16xi32>
    %mul3A_32 = arith.constant 100000 : i32
    %mul3A_33 = vector.broadcast %mul3A_32 : i32 to vector<16xi32>
    %mul3A_34 = arith.muli %add3A_31, %mul3A_33 : vector<16xi32>
    %get3A_35 = arith.constant 16 : index
    %get3A_36 = tpu.vector_load %arg7[%get3A_35] {strides = array<i32>} : memref<32xi32, #tpu.memory_space<vmem>>, vector<16xi32>,
    %get3A_37 = vector.shape_cast %get3A_36 : vector<16xi32> to vector<16xi32>
    %add3A_38 = arith.addi %mul3A_34, %get3A_37 : vector<16xi32>
    %swap3A_39 = arith.constant 16 : index
    %swap3A_40 = tpu.vector_load %arg10[%swap3A_39] {strides = array<i32>} : memref<32xi32, #tpu.memory_space<vmem>>, vector<16xi32>,
    %swap3A_41 = vector.shape_cast %swap3A_40 : vector<16xi32> to vector<16xi32>
    %swap3A_42 = vector.shape_cast %add3A_38 : vector<16xi32> to vector<16xi32>
    tpu.vector_store %arg10[%swap3A_39], %swap3A_42 {strides = array<i32>} : memref<32xi32, #tpu.memory_space<vmem>>, vector<16xi32>,
    %mul3A_43 = arith.constant 100000 : i32
    %mul3A_44 = vector.broadcast %mul3A_43 : i32 to vector<16xi32>
    %mul3A_45 = arith.muli %add3A_31, %mul3A_44 : vector<16xi32>
    %get3A_46 = arith.constant 16 : index
    %get3A_47 = tpu.vector_load %arg8[%get3A_46] {strides = array<i32>} : memref<32xi32, #tpu.memory_space<vmem>>, vector<16xi32>,
    %get3A_48 = vector.shape_cast %get3A_47 : vector<16xi32> to vector<16xi32>
    %add3A_49 = arith.addi %mul3A_45, %get3A_48 : vector<16xi32>
    %swap3A_50 = arith.constant 16 : index
    %swap3A_51 = tpu.vector_load %arg11[%swap3A_50] {strides = array<i32>} : memref<32xi32, #tpu.memory_space<vmem>>, vector<16xi32>,
    %swap3A_52 = vector.shape_cast %swap3A_51 : vector<16xi32> to vector<16xi32>
    %swap3A_53 = vector.shape_cast %add3A_49 : vector<16xi32> to vector<16xi32>
    tpu.vector_store %arg11[%swap3A_50], %swap3A_53 {strides = array<i32>} : memref<32xi32, #tpu.memory_space<vmem>>, vector<16xi32>,
    %dma_start3A = arith.constant 0 : i32
    %dma_start3A_54 = tpu.memref_slice %arg2[%dma_start3A] : memref<102400000xf32, #tpu.memory_space<hbm>> -> memref<102400000xf32, #tpu.memory_space<hbm>>
    tpu.enqueue_indirect_dma source(%dma_start3A_54 : memref<102400000xf32, #tpu.memory_space<hbm>>) target(%arg12 : memref<32xf32, #tpu.memory_space<vmem>>) offsets(%arg10 : memref<32xi32, #tpu.memory_space<vmem>>) semaphore(%arg15 : memref<!tpu.dma_semaphore, #tpu.memory_space<semaphore_mem>>)
    %dma_wait3A = arith.constant 0 : i32
    %dma_wait3A_55 = tpu.memref_slice %arg2[%dma_wait3A] : memref<102400000xf32, #tpu.memory_space<hbm>> -> memref<102400000xf32, #tpu.memory_space<hbm>>
    tpu.wait_indirect_dma semaphore(%arg15 : memref<!tpu.dma_semaphore, #tpu.memory_space<semaphore_mem>>) src(%dma_wait3A_55 : memref<102400000xf32, #tpu.memory_space<hbm>>) dst(%arg12 : memref<32xf32, #tpu.memory_space<vmem>>)
    %dma_start3A_56 = arith.constant 0 : i32
    %dma_start3A_57 = tpu.memref_slice %arg2[%dma_start3A_56] : memref<102400000xf32, #tpu.memory_space<hbm>> -> memref<102400000xf32, #tpu.memory_space<hbm>>
    tpu.enqueue_indirect_dma source(%dma_start3A_57 : memref<102400000xf32, #tpu.memory_space<hbm>>) target(%arg13 : memref<32xf32, #tpu.memory_space<vmem>>) offsets(%arg11 : memref<32xi32, #tpu.memory_space<vmem>>) semaphore(%arg15 : memref<!tpu.dma_semaphore, #tpu.memory_space<semaphore_mem>>)
    %dma_wait3A_58 = arith.constant 0 : i32
    %dma_wait3A_59 = tpu.memref_slice %arg2[%dma_wait3A_58] : memref<102400000xf32, #tpu.memory_space<hbm>> -> memref<102400000xf32, #tpu.memory_space<hbm>>
    tpu.wait_indirect_dma semaphore(%arg15 : memref<!tpu.dma_semaphore, #tpu.memory_space<semaphore_mem>>) src(%dma_wait3A_59 : memref<102400000xf32, #tpu.memory_space<hbm>>) dst(%arg13 : memref<32xf32, #tpu.memory_space<vmem>>)
    %broadcast_in_dim3A = arith.constant 0.000000e+00 : f32
    %broadcast_in_dim3A_60 = vector.broadcast %broadcast_in_dim3A : f32 to vector<16xf32>
    %get3A_61 = arith.constant 0 : index
    %get3A_62 = tpu.vector_load %arg9[%get3A_61] {strides = array<i32>} : memref<32xf32, #tpu.memory_space<vmem>>, vector<16xf32>,
    %get3A_63 = vector.shape_cast %get3A_62 : vector<16xf32> to vector<16xf32>
    %get3A_64 = arith.constant 0 : index
    %get3A_65 = tpu.vector_load %arg12[%get3A_64] {strides = array<i32>} : memref<32xf32, #tpu.memory_space<vmem>>, vector<16xf32>,
    %get3A_66 = vector.shape_cast %get3A_65 : vector<16xf32> to vector<16xf32>
    %mul3A_67 = arith.mulf %get3A_63, %get3A_66 : vector<16xf32>
    %add3A_68 = arith.addf %broadcast_in_dim3A_60, %mul3A_67 : vector<16xf32>
    %sub3A = arith.constant 1.000000e+00 : f32
    %sub3A_69 = vector.broadcast %sub3A : f32 to vector<16xf32>
    %sub3A_70 = arith.subf %sub3A_69, %get3A_63 : vector<16xf32>
    %get3A_71 = arith.constant 0 : index
    %get3A_72 = tpu.vector_load %arg13[%get3A_71] {strides = array<i32>} : memref<32xf32, #tpu.memory_space<vmem>>, vector<16xf32>,
    %get3A_73 = vector.shape_cast %get3A_72 : vector<16xf32> to vector<16xf32>
    %mul3A_74 = arith.mulf %sub3A_70, %get3A_73 : vector<16xf32>
    %add3A_75 = arith.addf %add3A_68, %mul3A_74 : vector<16xf32>
    %get3A_76 = arith.constant 16 : index
    %get3A_77 = tpu.vector_load %arg9[%get3A_76] {strides = array<i32>} : memref<32xf32, #tpu.memory_space<vmem>>, vector<16xf32>,
    %get3A_78 = vector.shape_cast %get3A_77 : vector<16xf32> to vector<16xf32>
    %get3A_79 = arith.constant 16 : index
    %get3A_80 = tpu.vector_load %arg12[%get3A_79] {strides = array<i32>} : memref<32xf32, #tpu.memory_space<vmem>>, vector<16xf32>,
    %get3A_81 = vector.shape_cast %get3A_80 : vector<16xf32> to vector<16xf32>
    %mul3A_82 = arith.mulf %get3A_78, %get3A_81 : vector<16xf32>
    %add3A_83 = arith.addf %add3A_75, %mul3A_82 : vector<16xf32>
    %sub3A_84 = arith.constant 1.000000e+00 : f32
    %sub3A_85 = vector.broadcast %sub3A_84 : f32 to vector<16xf32>
    %sub3A_86 = arith.subf %sub3A_85, %get3A_78 : vector<16xf32>
    %get3A_87 = arith.constant 16 : index
    %get3A_88 = tpu.vector_load %arg13[%get3A_87] {strides = array<i32>} : memref<32xf32, #tpu.memory_space<vmem>>, vector<16xf32>,
    %get3A_89 = vector.shape_cast %get3A_88 : vector<16xf32> to vector<16xf32>
    %mul3A_90 = arith.mulf %sub3A_86, %get3A_89 : vector<16xf32>
    %add3A_91 = arith.addf %add3A_83, %mul3A_90 : vector<16xf32>
    %swap3A_92 = arith.constant 0 : index
    %swap3A_93 = tpu.vector_load %arg14[%swap3A_92] {strides = array<i32>} : memref<16xf32, #tpu.memory_space<vmem>>, vector<16xf32>,
    %swap3A_94 = vector.shape_cast %swap3A_93 : vector<16xf32> to vector<16xf32>
    %swap3A_95 = vector.shape_cast %add3A_91 : vector<16xf32> to vector<16xf32>
    tpu.vector_store %arg14[%swap3A_92], %swap3A_95 {strides = array<i32>} : memref<16xf32, #tpu.memory_space<vmem>>, vector<16xf32>,
    "tpu.region"() ({
      %run_scoped3A = tpu.sem_alloc : memref<!tpu.dma_semaphore, #tpu.memory_space<semaphore_mem>>
      %dma_start3A_96 = arith.constant 0 : i32
      %dma_start3A_97 = tpu.memref_slice %arg6[%add3A, %dma_start3A_96] : memref<32x16xf32, #tpu.memory_space<hbm>> -> memref<1x16xf32, #tpu.memory_space<hbm>>
      %dma_start3A_98 = tpu.memref_squeeze %dma_start3A_97 : memref<1x16xf32, #tpu.memory_space<hbm>> -> memref<16xf32, #tpu.memory_space<hbm>>
      %dma_start3A_99 = arith.constant 0 : i32
      %dma_start3A_100 = tpu.memref_slice %arg6[%add3A, %dma_start3A_99] : memref<32x16xf32, #tpu.memory_space<hbm>> -> memref<1x16xf32, #tpu.memory_space<hbm>>
      %dma_start3A_101 = tpu.memref_squeeze %dma_start3A_100 : memref<1x16xf32, #tpu.memory_space<hbm>> -> memref<16xf32, #tpu.memory_space<hbm>>
      tpu.enqueue_dma source(%arg14 : memref<16xf32, #tpu.memory_space<vmem>>) target(%dma_start3A_101 : memref<16xf32, #tpu.memory_space<hbm>>) target_semaphore(%run_scoped3A : memref<!tpu.dma_semaphore, #tpu.memory_space<semaphore_mem>>)
      %dma_wait3A_102 = arith.constant 0 : i32
      %dma_wait3A_103 = tpu.memref_slice %arg6[%add3A, %dma_wait3A_102] : memref<32x16xf32, #tpu.memory_space<hbm>> -> memref<1x16xf32, #tpu.memory_space<hbm>>
      %dma_wait3A_104 = tpu.memref_squeeze %dma_wait3A_103 : memref<1x16xf32, #tpu.memory_space<hbm>> -> memref<16xf32, #tpu.memory_space<hbm>>
      %dma_wait3A_105 = arith.constant 0 : i32
      %dma_wait3A_106 = tpu.memref_slice %arg6[%add3A, %dma_wait3A_105] : memref<32x16xf32, #tpu.memory_space<hbm>> -> memref<1x16xf32, #tpu.memory_space<hbm>>
      %dma_wait3A_107 = tpu.memref_squeeze %dma_wait3A_106 : memref<1x16xf32, #tpu.memory_space<hbm>> -> memref<16xf32, #tpu.memory_space<hbm>>
      tpu.wait_dma2 semaphore(%run_scoped3A : memref<!tpu.dma_semaphore, #tpu.memory_space<semaphore_mem>>) src(%arg14 : memref<16xf32, #tpu.memory_space<vmem>>) dst(%dma_wait3A_107 : memref<16xf32, #tpu.memory_space<hbm>>)
      tpu.yield
    }) : () -> ()
    return
  }
}

</mosaic_0001>

<sc_bundles>
// kernel: _sc_gather_dot.3.cloned.1.call-start
scs
__scs_entry_jumppad:
0x0: {  	(pc) =	sbr.rel $0x88, $3  }
0x1: {  	(tag) =	ssettag $0x0;
	lr =	simm.s32 $0x1  }
0x2: {  	[smem:$0x3F9D] =	sst lr;
	_ =	strace $0xD0000000  }
0x3: {  	_ = 	snop  }
0x4: {  	_ = 	snop  }
0x5: {  	_ = 	snop  }
0x6: {  	_ = 	snop  }
0x7: {  	_ = 	snop  }
__scs_overlays_trampoline_lowered:
0x8: {  	[smem:$0x3FAC] =	sst s0  }
0x9: {  	[smem:$0x3FAD] =	sst s1  }
0xa: {  	[smem:$0x3FAE] =	sst s2  }
0xb: {  	[smem:$0x3FAF] =	sst s3  }
0xc: {  	[smem:$0x3FB0] =	sst s4  }
0xd: {  	[smem:$0x3FB1] =	sst s5  }
0xe: {  	[smem:$0x3FB2] =	sst s6  }
0xf: {  	[smem:$0x3FB3] =	sst s7  }
0x10: {  	[smem:$0x3FB4] =	sst s8  }
0x11: {  	[smem:$0x3FB5] =	sst s9;
	s0 =	simm.s32 @!p0 $0x0  }
0x12: {  	s1 =	sld [smem:$0x3F9B];
	s0 =	simm.s32 @p0 $0x1  }
0x13: {  	[smem:$0x3FB6] =	sst s0;
	s0 =	simm.s32 @!p1 $0x0  }
0x14: {  	s2 =	sld [smem:$0x3F9A];
	s0 =	simm.s32 @p1 $0x1  }
0x15: {  	[smem:$0x3FB7] =	sst s0;
	s0 =	simm.s32 @!p2 $0x0  }
0x16: {  	s3 =	sld [smem:$0x3FDB];
	s0 =	simm.s32 @p2 $0x1  }
0x17: {  	s4 =	simm.s32 $0x1BF5;
	[smem:$0x3FB9] =	sst s0  }
0x18: {  	s0 =	sld [smem:$0x3F9C];
	_ =	swait.ge [sflag:s4], $0x0  }
0x19: {  	s7 =	sld [smem:$0x3F9D]  }
0x1a: {  	s8 =	sadd.s32 $0xFFFFE003, lr  }
0x1b: {  	s9 =	sadd.s32 $0xFFFFFEF7, lr;
	s5 =	simm.s32 $0xFFFFFFFF;
	p2 =	slt.u32 s8, $0xFFFFF086  }
0x1c: {  	p1 =	slt.u32 s9, $0xF7A;
	s5 =	simm.s32 @!p2 $0x0  }
0x1d: {  	s5 =	simm.s32 @p1 $0x1;
	p0 =	seq.s32 s7, s2  }
0x1e: {  	s7 =	smul.u32 @!p0 $0xF7A, s2;
	p2 =	seq.s32 @!p0 s5, $0x0  }
0x1f: {  	s9 =	smul.u32 $0xF7A, s1;
	s8 =	simm.s32 @!p0 $0x1BF5;
	p2 =	por !p2, p0  }
0x20: {  	[sflag:s8] =	ssyncset.s32 @!p0 $0xFFFFF086;
	s6 =	sadd.s32 @!p0 s3, s7;
	s7 =	simm.s32 @!p0 $0x108  }
0x21: {  	s3 =	sadd.s32 s3, s9;
	s6 =	sadd.s32 @!p0 $0x88, s6;
	s7 =	simm.s32 @p2 $0x1082  }
0x22: {  	[simem:s7], [sflag:s8] =	dma.local @!p0 [hbm:s6], $0xF7A  }
0x23: {  	s9 =	sor.u32 $0xD0000000, s2;
	s6 =	simm.s32 $0x108;
	_ =	swait.ge @!p0 [sflag:s8], $0x0  }
0x24: {  	s3 =	sadd.s32 $0x88, s3;
	s6 =	simm.s32 @!p1 $0x1082;
	[sflag:s4] =	ssyncset.s32 $0xFFFFF086  }
0x25: {  	[simem:s6], [sflag:s4] =	dma.local [hbm:s3], $0xF7A  }
0x26: {  	[smem:$0x3F9D] =	sst s1;
	(tag) =	ssettag s2;
	_ =	strace s9  }
0x27: {  	s1 =	sld [smem:$0x3FAD]  }
0x28: {  	s2 =	sld [smem:$0x3FAE]  }
0x29: {  	s4 =	sld [smem:$0x3FB0]  }
0x2a: {  	p0 =	seq.s32 s5, $0x0;
	s5 =	sld [smem:$0x3FB1]  }
0x2b: {  	s6 =	sld [smem:$0x3FB2]  }
0x2c: {  	s7 =	sld [smem:$0x3FB3]  }
0x2d: {  	s3 =	simm.s32 $0x108;
	s8 =	sld [smem:$0x3FB4]  }
0x2e: {  	s3 =	simm.s32 @!p0 $0x1082;
	s9 =	sld [smem:$0x3FB5]  }
0x2f: {  	lr =	sadd.s32 s0, s3;
	s0 =	sld [smem:$0x3FAC]  }
0x30: {  	s3 =	sld [smem:$0x3FAF]  }
0x31: {  	[smem:$0x3FB8] =	sst s10  }
0x32: {  	s10 =	sld [smem:$0x3FB6];
	_ =	sdelay $0x3  }
0x33: {  	p0 =	seq.s32 s10, $0x1;
	s10 =	sld [smem:$0x3FB8];
	_ =	sdelay $0x3  }
0x34: {  	[smem:$0x3FB8] =	sst s10  }
0x35: {  	s10 =	sld [smem:$0x3FB7];
	_ =	sdelay $0x3  }
0x36: {  	p1 =	seq.s32 s10, $0x1;
	s10 =	sld [smem:$0x3FB8];
	_ =	sdelay $0x3  }
0x37: {  	[smem:$0x3FB8] =	sst s10  }
0x38: {  	s10 =	sld [smem:$0x3FB9]  }
0x39: {  	_ = 	snop;
	(pc) =	sbr.ind lr, $3  }
0x3a: {  	_ = 	snop  }
0x3b: {  	_ = 	snop  }
0x3c: {  	p2 =	seq.s32 s10, $0x1;
	s10 =	sld [smem:$0x3FB8]  }
0x3d: {  	_ =	shalt  }
0x3e: {  	_ =	shalt  }
0x3f: {  	_ =	shalt  }
0x40: {  	_ =	shalt  }
0x41: {  	_ =	shalt  }
0x42: {  	_ =	shalt  }
0x43: {  	_ =	shalt  }
0x44: {  	_ =	shalt  }
0x45: {  	_ =	shalt  }
0x46: {  	_ =	shalt  }
0x47: {  	_ =	shalt  }
0x48: {  	_ =	shalt  }
0x49: {  	_ =	shalt  }
0x4a: {  	_ =	shalt  }
0x4b: {  	_ =	shalt  }
0x4c: {  	_ =	shalt  }
0x4d: {  	_ =	shalt  }
0x4e: {  	_ =	shalt  }
0x4f: {  	_ =	shalt  }
0x50: {  	_ =	shalt  }
0x51: {  	_ =	shalt  }
0x52: {  	_ =	shalt  }
0x53: {  	_ =	shalt  }
0x54: {  	_ =	shalt  }
0x55: {  	_ =	shalt  }
0x56: {  	_ =	shalt  }
0x57: {  	_ =	shalt  }
0x58: {  	_ =	shalt  }
0x59: {  	_ =	shalt  }
0x5a: {  	_ =	shalt  }
0x5b: {  	_ =	shalt  }
0x5c: {  	_ =	shalt  }
0x5d: {  	_ =	shalt  }
0x5e: {  	_ =	shalt  }
0x5f: {  	_ =	shalt  }
0x60: {  	_ =	shalt  }
0x61: {  	_ =	shalt  }
0x62: {  	_ =	shalt  }
0x63: {  	_ =	shalt  }
0x64: {  	_ =	shalt  }
0x65: {  	_ =	shalt  }
0x66: {  	_ =	shalt  }
0x67: {  	_ =	shalt  }
0x68: {  	_ =	shalt  }
0x69: {  	_ =	shalt  }
0x6a: {  	_ =	shalt  }
0x6b: {  	_ =	shalt  }
0x6c: {  	_ =	shalt  }
0x6d: {  	_ =	shalt  }
0x6e: {  	_ =	shalt  }
0x6f: {  	_ =	shalt  }
0x70: {  	_ =	shalt  }
0x71: {  	_ =	shalt  }
0x72: {  	_ =	shalt  }
0x73: {  	_ =	shalt  }
0x74: {  	_ =	shalt  }
0x75: {  	_ =	shalt  }
0x76: {  	_ =	shalt  }
0x77: {  	_ =	shalt  }
0x78: {  	_ =	shalt  }
0x79: {  	_ =	shalt  }
0x7a: {  	_ =	shalt  }
0x7b: {  	_ =	shalt  }
0x7c: {  	_ =	shalt  }
0x7d: {  	_ =	shalt  }
0x7e: {  	_ =	shalt  }
0x7f: {  	_ =	shalt  }
0x80: {  	_ =	shalt  }
0x81: {  	_ =	shalt  }
0x82: {  	_ =	shalt  }
0x83: {  	_ =	shalt  }
0x84: {  	_ =	shalt  }
0x85: {  	_ =	shalt  }
0x86: {  	_ =	shalt  }
0x87: {  	_ =	shalt  }
.Lfunc_end0:
.L_simem_size_0:
called_computation_lowered:
.L_overlay_start_0:
0x88: {  	s2 =	sld [smem:$0x3FD9]  }
0x89: {  	s3 =	sld [smem:$0x3FFE];
	_ =	sdelay $0x1  }
0x8a: {  	s1 =	srdreg.scid  }
0x8b: {  	s0 =	sand.u32 $0x1, s1  }
0x8c: {  	s17 =	sshll.u32 s0, $0xA;
	s2 =	sadd.s32 s3, s2  }
0x8d: {  	s2 =	sadd.s32 s2, s17  }
0x8e: {  	[smem:$0x3FC4] =	sst s2  }
0x8f: {  	_ = 	snop  }
0x90: {  	s2 =	sld [smem:$0x3FC9]  }
0x91: {  	s18 =	sld [smem:$0x3FC8]  }
0x92: {  	s4 =	sld [smem:$0x3FC7]  }
0x93: {  	s5 =	sld [smem:$0x3FC6];
	(tm) =	ssettm $0x1  }
0x94: {  	s6 =	sld [smem:$0x3FFB];
	_ =	sdelay $0x3  }
0x95: {  	_ =	strace s6  }
0x96: {  	s6 =	sld [smem:$0x3FFC];
	_ =	sdelay $0x3  }
0x97: {  	_ =	strace s6  }
0x98: {  	s6 =	sld [smem:$0x3FFD];
	_ =	sdelay $0x3  }
0x99: {  	_ =	strace s6  }
0x9a: {  	_ =	strace $0x8FFFFFFF  }
0x9b: {  	s19 =	sld [smem:$0x3FDB];
	_ =	sdelay $0x1  }
0x9c: {  	s7 =	simm.s32 $_scs_section_size  }
0x9d: {  	s8 =	simm.s32 $_size__tile_overlayer_lowered;
	s9 =	simm.s32 $_tile_overlayer_lowered  }
0x9e: {  	s22 =	simm.s32 $0x1BFF;
	s21 =	sshll.u32 s9, $0x1;
	s6 =	sadd.s32 s7, s19  }
0x9f: {  	s10 =	simm.s32 $0x0;
	s20 =	sshll.u32 s8, $0x1;
	s8 =	sadd.s32 s21, s6  }
0xa0: {  	[timem:s10], [sflag:s22] =	dma.local [hbm:s8], s20  }
0xa1: {  	_ =	swait.ge [sflag:s22], s20  }
0xa2: {  	s7 =	ssub.s32 $0x0, s20;
	[sflag:s22] =	ssyncset.done $0x0  }
0xa3: {  	[sflag:s22] =	ssyncadd.s32 s7;
	_ =	sdelay $0x1  }
0xa4: {  	s23 =	simm.s32 $0x1B8B  }
0xa5: {  	_ =	swait.ge [sflag:s23], $0x1  }
0xa6: {  	[sflag:s23] =	ssyncset.done $0x0  }
0xa7: {  	s25 =	simm.s32 $0x1B8E;
	s24 =	sld [smem:$0x3FFE];
	[sflag:s23] =	ssyncadd.s32 $0xFFFFFFFF  }
0xa8: {  	s26 =	simm.s32 $execute0_lowered;
	[smem:$0x3FD2] =	sst s25  }
0xa9: {  	s8 =	sshll.u32 s26, $0x1;
	_ =	strace $0x80000046;
	[dreg:$0x1] =	wrdreg $0xFFFFFFFF  }
0xaa: {  	s28 =	simm.s32 $_size_execute0_lowered;
	s6 =	sadd.s32 s6, s8;
	[dreg:$0x0] =	wrdreg $0x0  }
0xab: {  	s8 =	sshll.u32 s28, $0x1;
	[dreg:$0x2] =	wrdreg s6  }
0xac: {  	[dreg:$0x3] =	wrdreg s8  }
0xad: {  	[dreg:$0x4] =	wrdreg $0xC0  }
0xae: {  	_ =	task [dreg:s10], $0x5FFFF  }
0xaf: {  	[dreg:$0x1] =	wrdreg $0xFFFFFFFF  }
0xb0: {  	[dreg:$0x0] =	wrdreg $0x60  }
0xb1: {  	[dreg:$0x2] =	wrdreg s2  }
0xb2: {  	[dreg:$0x3] =	wrdreg s18  }
0xb3: {  	[dreg:$0x4] =	wrdreg s4  }
0xb4: {  	[dreg:$0x5] =	wrdreg s5  }
0xb5: {  	[dreg:$0x6] =	wrdreg s24  }
0xb6: {  	[dreg:$0x7] =	wrdreg $0x9  }
0xb7: {  	_ =	task.clear_ibuf [dreg:s10], $0x8FFFF;
	_ =	strace $0x90000046  }
0xb8: {  	s29 =	simm.s32 $0x9;
	_ =	strace $0x80000048  }
0xb9: {  	_ =	swait.ge [sflag:s29], $0x1  }
0xba: {  	[sflag:s29] =	ssyncadd.s32 $0xFFFFFFFF  }
0xbb: {  	_ =	strace $0x90000048  }
0xbc: {  	_ =	sfence  }
0xbd: {  	s30 =	sld [smem:$0x0];
	_ =	sdelay $0x2  }
0xbe: {  	s31 =	sshll.u32 s1, $0xD;
	s1 =	sshrl.u32 s1, $0x2  }
0xbf: {  	s3 =	sand.u32 $0x4000, s31;
	s1 =	sadd.s32 s1, s30  }
0xc0: {  	s0 =	sor.u32 s3, s0;
	s1 =	sshll.u32 s1, $0x11  }
0xc1: {  	s0 =	sor.u32 s1, s0  }
0xc2: {  	s0 =	sadd.s32 $0x8F2B, s0  }
0xc3: {  	[sflag:s0] =	ssyncadd.remote.s32 $0x1  }
0xc4: {  	_ =	sfence.sel $0xFFFF  }
0xc5: {  	[dreg:$0x0] =	wrdreg $0xFFFFFFFF;
	(pc) =	sbr.abs _section_cstart, $3  }
0xc6: {  	[dreg:$0x1] =	wrdreg $0xFFFFFFFF  }
0xc7: {  	_ =	task.clear_ibuf [dreg:s10], $0x2FFFF;
	_ =	strace $0x9FFFFFFF  }
0xc8: {  	(tm) =	ssettm $0x7FFFFFFF  }
0xc9: {  	_ =	shalt  }
tec
execute0_lowered:
.L_overlay_start_1:
0x0: {  	(tag) =	ssettag $0x1  }
0x1: {  	s2 =	rddreg [dreg:$0x0]  }
0x2: {  	s4 =	rddreg [dreg:$0x1]  }
0x3: {  	s6 =	rddreg [dreg:$0x2]  }
0x4: {  	s8 =	rddreg [dreg:$0x3]  }
0x5: {  	s1 =	srdreg.scid;
	s0 =	stileid.u32  }
0x6: {  	s16 =	rddreg [dreg:$0x4];
	s18 =	sand.u32 $0x1, s1;
	s5 =	sshll.u32 s0, $0x1  }
0x7: {  	s3 =	simm.s32 $0x0;
	s1 =	rddreg [dreg:$0x5];
	s17 =	sor.u32 s18, s5  }
0x8: {  	[smem:$0x7FF] =	sst s3;
	s9 =	sshll.u32 s17, $0x2  }
0x9: {  	_ =	strace $0x80000047;
	s5 =	sadd.s32 s4, s9;
	s4 =	simm.s32 $0x2  }
0xa: {  	[tilespmem:s3], [sflag:$0x2] =	stream.linear.gather [hbm4b:s5+s3], $0x20, $0x38;
	[tilespmem:$0x400] =	vst v63  }
0xb: {  	_ =	swait.ge [sflag:s4], $0x20  }
0xc: {  	[sflag:s4] =	ssyncset.done $0x0  }
0xd: {  	s7 =	simm.s32 $0x80;
	s6 =	sadd.s32 s6, s9;
	[sflag:s4] =	ssyncadd.s32 $0xFFFFFFE0  }
0xe: {  	[tilespmem:s7], [sflag:$0x2] =	stream.linear.gather [hbm4b:s6+s3], $0x20, $0x38;
	[tilespmem:$0x400] =	vst v63  }
0xf: {  	_ =	swait.ge [sflag:s4], $0x20  }
0x10: {  	[sflag:s4] =	ssyncset.done $0x0  }
0x11: {  	s8 =	sadd.s32 s8, s9;
	s9 =	simm.s32 $0x100;
	[sflag:s4] =	ssyncadd.s32 $0xFFFFFFE0  }
0x12: {  	[tilespmem:s9], [sflag:$0x2] =	stream.linear.gather [hbm4b:s8+s3], $0x20, $0x38;
	[tilespmem:$0x400] =	vst v63  }
0x13: {  	s10 =	sshll.u32 s17, $0x5;
	_ =	swait.ge [sflag:s4], $0x20  }
0x14: {  	s11 =	sor.u32 $0x10, s10;
	[sflag:s4] =	ssyncset.done $0x0  }
0x15: {  	v0 =	vmov s11;
	[sflag:s4] =	ssyncadd.s32 $0xFFFFFFE0  }
0x16: {  	v0 =	vmul.u32 $0x186A0, v0;
	v1 =	vld [tilespmem:$0x90]  }
0x17: {  	v3 =	vlaneseq.u32;
	v2 =	vmov s10;
	v4 =	vld [tilespmem:$0x10]  }
0x18: {  	v3 =	vmul.u32 $0x186A0, v3;
	v2 =	vmul.u32 $0x186A0, v2;
	v0 =	vbroadcast v0, $0x0;
	v5 =	vld [tilespmem:$0x0]  }
0x19: {  	v6 =	vld [tilespmem:$0x80]  }
0x1a: {  	v2 =	vbroadcast v2, $0x0;
	v0 =	vadd.s32 v3, v0  }
0x1b: {  	v7 =	vadd.s32 v0, v1  }
0x1c: {  	v1 =	vadd.s32 v3, v2;
	v2 =	vadd.s32 v0, v4;
	[tilespmem:$0x210] =	vst v7  }
0x1d: {  	v3 =	vadd.s32 v1, v5;
	[tilespmem:$0x190] =	vst v2  }
0x1e: {  	s12 =	simm.s32 $0x280;
	v2 =	vadd.s32 v1, v6;
	[tilespmem:$0x180] =	vst v3  }
0x1f: {  	s13 =	simm.s32 $0x1;
	s10 =	simm.s32 $0x20;
	s11 =	simm.s32 $0x180;
	[tilespmem:$0x200] =	vst v2  }
0x20: {  	[tilespmem:s12], [sflag:$0x1] =	stream.indirect.gather [hbm4b:s2+s10], $0x1, s11, s10, $0xb8;
	[tilespmem:$0x400] =	vst v63  }
0x21: {  	_ =	swait.ge [sflag:s13], $0x20  }
0x22: {  	[sflag:s13] =	ssyncset.done $0x0  }
0x23: {  	s14 =	simm.s32 $0x200;
	s15 =	simm.s32 $0x300;
	[sflag:s13] =	ssyncadd.s32 $0xFFFFFFE0  }
0x24: {  	[tilespmem:s15], [sflag:$0x1] =	stream.indirect.gather [hbm4b:s2+s10], $0x1, s14, s10, $0xb8;
	[tilespmem:$0x400] =	vst v63  }
0x25: {  	_ =	swait.ge [sflag:s13], $0x20  }
0x26: {  	[sflag:s13] =	ssyncset.done $0x0  }
0x27: {  	[sflag:s13] =	ssyncadd.s32 $0xFFFFFFE0  }
0x28: {  	v2 =	vld [tilespmem:$0x100]  }
0x29: {  	v3 =	vld [tilespmem:$0x280];
	_ =	sdelay $0x1  }
0x2a: {  	v59 =	vld [tilespmem:$0x300]  }
0x2b: {  	v60 =	vld [tilespmem:$0x110]  }
0x2c: {  	s18 =	ssub.s32 $0x2, s18;
	v61 =	vld [tilespmem:$0x290]  }
0x2d: {  	s19 =	sshrl.u32 s18, $0x1;
	v62 =	vsub.f32 $1.000000000e+00, v2;
	v2 =	vmul.f32 v3, v2  }
0x2e: {  	s18 =	ssub.s32 s18, s19;
	v3 =	vld [tilespmem:$0x310]  }
0x2f: {  	s18 =	smax.u32 s18, $0x1;
	v4 =	vmul.f32 v59, v62;
	v2 =	vadd.f32 $0.0e+00, v2  }
0x30: {  	p0 =	sne.s32 s18, $0x1  }
.Ltmp0:
0x31: {  	v63 =	vsub.f32 $1.000000000e+00, v60;
	v5 =	vmul.f32 v61, v60;
	v2 =	vadd.f32 v4, v2;
	(pc) =	sbr.rel @!p0 .LBB2_2-.Ltmp0, $4  }
0x32: {  	_ = 	snop  }
0x33: {  	s17 =	sshll.u32 s17, $0x4;
	v3 =	vmul.f32 v3, v63;
	v2 =	vadd.f32 v5, v2  }
0x34: {  	s16 =	sadd.s32 s17, s16  }
0x35: {  	s17 =	simm.s32 $0x380;
	s16 =	sadd.s32 $0x400, s16;
	s18 =	sadd.s32 $0xFFFFFFFF, s18;
	v2 =	vadd.f32 v3, v2  }
.LBB2_1:
0x36: {  	_ = 	snop  }
0x37: {  	p0 =	sne.s32 s18, $0x1;
	s18 =	sadd.s32 $0xFFFFFFFF, s18;
	[tilespmem:$0x380] =	vst v2  }
0x38: {  	[hbm4b:s16+s3] =	stream.linear.scatter [tilespmem:s17], [sflag:$0x2], $0x80, $0x38;
	[tilespmem:$0x400] =	vst v63  }
0x39: {  	_ =	swait.ge [sflag:s4], $0x80  }
0x3a: {  	[sflag:s4] =	ssyncset.done $0x0  }
0x3b: {  	[sflag:s4] =	ssyncadd.s32 $0xFFFFFF80  }
0x3c: {  	[tilespmem:s3], [sflag:$0x2] =	stream.linear.gather [hbm4b:s5+s3], $0x20, $0x38;
	[tilespmem:$0x400] =	vst v63  }
0x3d: {  	_ =	swait.ge [sflag:s4], $0x20  }
0x3e: {  	[sflag:s4] =	ssyncset.done $0x0  }
0x3f: {  	[sflag:s4] =	ssyncadd.s32 $0xFFFFFFE0  }
0x40: {  	[tilespmem:s7], [sflag:$0x2] =	stream.linear.gather [hbm4b:s6+s3], $0x20, $0x38;
	[tilespmem:$0x400] =	vst v63  }
0x41: {  	_ =	swait.ge [sflag:s4], $0x20  }
0x42: {  	[sflag:s4] =	ssyncset.done $0x0  }
0x43: {  	[sflag:s4] =	ssyncadd.s32 $0xFFFFFFE0  }
0x44: {  	[tilespmem:s9], [sflag:$0x2] =	stream.linear.gather [hbm4b:s8+s3], $0x20, $0x38;
	[tilespmem:$0x400] =	vst v63  }
0x45: {  	_ =	swait.ge [sflag:s4], $0x20  }
0x46: {  	[sflag:s4] =	ssyncset.done $0x0  }
0x47: {  	[sflag:s4] =	ssyncadd.s32 $0xFFFFFFE0  }
0x48: {  	v2 =	vld [tilespmem:$0x90]  }
0x49: {  	v3 =	vld [tilespmem:$0x10]  }
0x4a: {  	v4 =	vld [tilespmem:$0x0]  }
0x4b: {  	v5 =	vld [tilespmem:$0x80];
	_ =	sdelay $0x1  }
0x4c: {  	v2 =	vadd.s32 v0, v2  }
0x4d: {  	v3 =	vadd.s32 v0, v3;
	[tilespmem:$0x210] =	vst v2  }
0x4e: {  	v2 =	vadd.s32 v1, v4;
	[tilespmem:$0x190] =	vst v3  }
0x4f: {  	[tilespmem:$0x180] =	vst v2;
	v2 =	vadd.s32 v1, v5  }
0x50: {  	[tilespmem:$0x200] =	vst v2  }
0x51: {  	[tilespmem:s12], [sflag:$0x1] =	stream.indirect.gather [hbm4b:s2+s10], $0x1, s11, s10, $0xb8;
	[tilespmem:$0x400] =	vst v63  }
0x52: {  	_ =	swait.ge [sflag:s13], $0x20  }
0x53: {  	[sflag:s13] =	ssyncset.done $0x0  }
0x54: {  	[sflag:s13] =	ssyncadd.s32 $0xFFFFFFE0  }
0x55: {  	[tilespmem:s15], [sflag:$0x1] =	stream.indirect.gather [hbm4b:s2+s10], $0x1, s14, s10, $0xb8;
	[tilespmem:$0x400] =	vst v63  }
0x56: {  	_ =	swait.ge [sflag:s13], $0x20  }
0x57: {  	[sflag:s13] =	ssyncset.done $0x0  }
0x58: {  	[sflag:s13] =	ssyncadd.s32 $0xFFFFFFE0  }
0x59: {  	v2 =	vld [tilespmem:$0x100]  }
0x5a: {  	v3 =	vld [tilespmem:$0x280]  }
0x5b: {  	v4 =	vld [tilespmem:$0x300]  }
0x5c: {  	v5 =	vld [tilespmem:$0x110]  }
0x5d: {  	v6 =	vld [tilespmem:$0x290]  }
0x5e: {  	v7 =	vsub.f32 $1.000000000e+00, v2  }
0x5f: {  	v2 =	vmul.f32 v3, v2;
	v3 =	vld [tilespmem:$0x310]  }
0x60: {  	v4 =	vmul.f32 v4, v7  }
0x61: {  	v2 =	vadd.f32 $0.0e+00, v2;
	v7 =	vsub.f32 $1.000000000e+00, v5  }
0x62: {  	v5 =	vmul.f32 v6, v5  }
.Ltmp1:
0x63: {  	v2 =	vadd.f32 v4, v2;
	(pc) =	sbr.rel @p0 .LBB2_1-.Ltmp1, $3  }
0x64: {  	v3 =	vmul.f32 v3, v7  }
0x65: {  	v2 =	vadd.f32 v5, v2;
	_ =	sdelay $0x1  }
0x66: {  	v2 =	vadd.f32 v3, v2  }
.LBB2_2:
0x67: {  	_ = 	snop  }
0x68: {  	[tilespmem:$0x380] =	vst v2  }
0x69: {  	[hbm4b:s16+s3] =	stream.linear.scatter [tilespmem:s17], [sflag:$0x2], $0x80, $0x38;
	[tilespmem:$0x400] =	vst v63  }
0x6a: {  	_ =	swait.ge [sflag:s4], $0x80  }
0x6b: {  	[sflag:s4] =	ssyncset.done $0x0  }
0x6c: {  	[sflag:s4] =	ssyncadd.s32 $0xFFFFFF80  }
0x6d: {  	_ =	sfence.sel $0x180000  }
0x6e: {  	[bflag:$0x0] =	sbarrier.arrive $0xFFFF  }
0x6f: {  	p0 =	sne.s32 s0, $0x0;
	_ =	strace $0x90000047  }
0x70: {  	s0 =	sadd.s32 @!p0 $0x100000, s1;
	[bflag:$0x2] =	sbarrier.arrive $0xFFFF  }
0x71: {  	[sflag:s0] =	ssyncadd.tile.s32 @!p0 $0x1;
	_ =	shalt  }
.Lfunc_end2:
_tile_overlayer_lowered:
.L_overlay_start_2:
0x72: {  	(tag) =	ssettag $0x2  }
0x73: {  	s0 =	rddreg [dreg:$0x0];
	s2 =	stileid.u32  }
0x74: {  	s1 =	rddreg [dreg:$0x1];
	p0 =	sne.s32 s2, $0x0  }
0x75: {  	s3 =	rddreg [dreg:$0x2];
	[bflag:$0x3] =	sbarrier.arrive $0xFFFF;
	s2 =	simm.s32 @!p0 $0x1C02  }
0x76: {  	[timem:s3], [sflag:s2] =	dma.local @!p0 [hbm:s0], s1  }
0x77: {  	s0 =	simm.s32 @!p0 $0x2  }
0x78: {  	_ =	swait.ge @!p0 [sflag:s0], s1  }
0x79: {  	s1 =	ssub.s32 @!p0 $0x0, s1;
	[sflag:s0] =	ssyncset.done @!p0 $0x0  }
0x7a: {  	[sflag:s0] =	ssyncadd.s32 @!p0 s1  }
0x7b: {  	[bflag:$0x3] =	sbarrier.arrive $0xFFFF  }
0x7c: {  	_ =	shalt  }

</sc_bundles>
